<compile_context>
chip_gen: v7x
topology: tpu7x:2x2x1
jax: 0.10.2.dev20260603
libtpu: 0.0.44.dev20260713+nightly
codegen_flags: <defaults>
</compile_context>

<pallas_src>
import functools

import jax
import jax.numpy as jnp
from jax import lax
from jax.experimental import pallas as pl
from jax.experimental.pallas import tpu as pltpu
from jax.experimental.pallas import tpu_sc as plsc

N = 10000
D = 128
NNZ = 320000
R = 10240
C = 128
NC = 2
NS = 16
NW = NC * NS
CPT = 80
NNZ_PAD = NW * CPT * C
PAD_IDX = 10000
RPT = R // NS


def _wid(c, s):
    return c * NS + s



def _sc_mesh():
    return plsc.VectorSubcoreMesh(core_axis_name="c", subcore_axis_name="s",
                                  num_cores=NC, num_subcores=NS)


def _spmm_body(tab_hbm, gidx_hbm, sidx_hbm, zrows_hbm, out_hbm,
               gbuf, sbuf, rows, acc):
    c = lax.axis_index("c")
    s = lax.axis_index("s")
    base = _wid(c, s) * CPT

    pltpu.sync_copy(zrows_hbm, acc.at[pl.ds(s * RPT, RPT)])
    plsc.subcore_barrier()

    def chunk(j, carry):
        off = pl.multiple_of((base + j) * C, C)
        pltpu.sync_copy(gidx_hbm.at[pl.ds(off, C)], gbuf.at[0])
        pltpu.sync_copy(sidx_hbm.at[pl.ds(off, C)], sbuf.at[0])
        pltpu.sync_copy(tab_hbm.at[gbuf.at[0]], rows.at[0])
        pltpu.sync_copy(rows.at[0], acc.at[sbuf.at[0]], add=True)
        return carry

    lax.fori_loop(0, CPT, chunk, 0)
    plsc.subcore_barrier()

    row0 = c * R + s * RPT
    pltpu.sync_copy(acc.at[pl.ds(s * RPT, RPT)], out_hbm.at[pl.ds(row0, RPT)])


@jax.jit
def _spmm(tab, gidx, sidx, zrows):
    return pl.kernel(
        _spmm_body,
        out_type=jax.ShapeDtypeStruct((NC * R, D), jnp.float32),
        mesh=_sc_mesh(),
        scratch_types=[
            pltpu.VMEM((1, C), jnp.int32),
            pltpu.VMEM((1, C), jnp.int32),
            pltpu.VMEM((1, C, D), jnp.float32),
            pltpu.VMEM_SHARED((R, D), jnp.float32),
        ],
    )(tab, gidx, sidx, zrows)


def _degrees_body(src_hbm, eid_hbm, zvec_hbm, out_hbm,
                  ibuf, ones, dv_acc, de_acc):
    c = lax.axis_index("c")
    s = lax.axis_index("s")
    base = _wid(c, s) * CPT

    for k in range(C // 16):
        ones[pl.ds(k * 16, 16)] = jnp.ones((16,), jnp.float32)
    pltpu.sync_copy(zvec_hbm, dv_acc.at[pl.ds(s * RPT, RPT)])
    pltpu.sync_copy(zvec_hbm, de_acc.at[pl.ds(s * RPT, RPT)])
    plsc.subcore_barrier()

    def chunk(j, carry):
        off = pl.multiple_of((base + j) * C, C)
        pltpu.sync_copy(src_hbm.at[pl.ds(off, C)], ibuf.at[0])
        pltpu.sync_copy(ones, dv_acc.at[ibuf.at[0]], add=True)
        pltpu.sync_copy(eid_hbm.at[pl.ds(off, C)], ibuf.at[0])
        pltpu.sync_copy(ones, de_acc.at[ibuf.at[0]], add=True)
        return carry

    lax.fori_loop(0, CPT, chunk, 0)
    plsc.subcore_barrier()

    pltpu.sync_copy(dv_acc.at[pl.ds(s * RPT, RPT)],
                    out_hbm.at[pl.ds((c * 2 + 0) * R + s * RPT, RPT)])
    pltpu.sync_copy(de_acc.at[pl.ds(s * RPT, RPT)],
                    out_hbm.at[pl.ds((c * 2 + 1) * R + s * RPT, RPT)])


@jax.jit
def _degrees(src, eid, zvec):
    return pl.kernel(
        _degrees_body,
        out_type=jax.ShapeDtypeStruct((NC * 2 * R,), jnp.float32),
        mesh=_sc_mesh(),
        scratch_types=[
            pltpu.VMEM((1, C), jnp.int32),
            pltpu.VMEM((C,), jnp.float32),
            pltpu.VMEM_SHARED((R,), jnp.float32),
            pltpu.VMEM_SHARED((R,), jnp.float32),
        ],
    )(src, eid, zvec)


def _norms_body(src_hbm, eid_hbm, dvb_hbm, dea_hbm, zvec_hbm, out_hbm,
                sbuf, ebuf, vals, en_acc, vn_acc):
    c = lax.axis_index("c")
    s = lax.axis_index("s")
    base = _wid(c, s) * CPT

    pltpu.sync_copy(zvec_hbm, en_acc.at[pl.ds(s * RPT, RPT)])
    pltpu.sync_copy(zvec_hbm, vn_acc.at[pl.ds(s * RPT, RPT)])
    plsc.subcore_barrier()

    def chunk(j, carry):
        off = pl.multiple_of((base + j) * C, C)
        pltpu.sync_copy(src_hbm.at[pl.ds(off, C)], sbuf.at[0])
        pltpu.sync_copy(eid_hbm.at[pl.ds(off, C)], ebuf.at[0])
        pltpu.sync_copy(dvb_hbm.at[sbuf.at[0]], vals.at[0])
        pltpu.sync_copy(vals.at[0], en_acc.at[ebuf.at[0]], add=True)
        pltpu.sync_copy(dea_hbm.at[ebuf.at[0]], vals.at[0])
        pltpu.sync_copy(vals.at[0], vn_acc.at[sbuf.at[0]], add=True)
        return carry

    lax.fori_loop(0, CPT, chunk, 0)
    plsc.subcore_barrier()

    pltpu.sync_copy(en_acc.at[pl.ds(s * RPT, RPT)],
                    out_hbm.at[pl.ds((c * 2 + 0) * R + s * RPT, RPT)])
    pltpu.sync_copy(vn_acc.at[pl.ds(s * RPT, RPT)],
                    out_hbm.at[pl.ds((c * 2 + 1) * R + s * RPT, RPT)])


@jax.jit
def _norms(src, eid, dv_beta, de_alpha, zvec):
    return pl.kernel(
        _norms_body,
        out_type=jax.ShapeDtypeStruct((NC * 2 * R,), jnp.float32),
        mesh=_sc_mesh(),
        scratch_types=[
            pltpu.VMEM((1, C), jnp.int32),
            pltpu.VMEM((1, C), jnp.int32),
            pltpu.VMEM((1, C), jnp.float32),
            pltpu.VMEM_SHARED((R,), jnp.float32),
            pltpu.VMEM_SHARED((R,), jnp.float32),
        ],
    )(src, eid, dv_beta, de_alpha, zvec)



def _prep_tc_body(parts_ref, dvb_ref, dea_ref):
    dv = jnp.maximum(parts_ref[0, 0] + parts_ref[1, 0], 1.0)
    de = jnp.maximum(parts_ref[0, 1] + parts_ref[1, 1], 1.0)
    dvb_ref[...] = lax.rsqrt(dv)
    r = lax.rsqrt(de)
    dea_ref[...] = r * r * r


@jax.jit
def _prep_tc(deg_parts):
    return pl.pallas_call(
        _prep_tc_body,
        out_shape=(jax.ShapeDtypeStruct((R,), jnp.float32),
                   jax.ShapeDtypeStruct((R,), jnp.float32)),
    )(deg_parts)


def _norminv_tc_body(parts_ref, ei_ref, vi_ref):
    ei_ref[...] = 1.0 / jnp.maximum(parts_ref[0, 0] + parts_ref[1, 0], 1e-12)
    vi_ref[...] = 1.0 / jnp.maximum(parts_ref[0, 1] + parts_ref[1, 1], 1e-12)


@jax.jit
def _norminv_tc(norm_parts):
    return pl.pallas_call(
        _norminv_tc_body,
        out_shape=(jax.ShapeDtypeStruct((R,), jnp.float32),
                   jax.ShapeDtypeStruct((R,), jnp.float32)),
    )(norm_parts)


_BR = 1024


def _mm_body(x_ref, w_ref, b_ref, scale_ref, o_ref):
    y = jnp.dot(x_ref[...], w_ref[...], preferred_element_type=jnp.float32)
    o_ref[...] = (y + b_ref[...]) * scale_ref[...]


@jax.jit
def _mm_tc(x, w, b, scale):
    return pl.pallas_call(
        _mm_body,
        grid=(R // _BR,),
        in_specs=[
            pl.BlockSpec((_BR, D), lambda i: (i, 0)),
            pl.BlockSpec((D, D), lambda i: (0, 0)),
            pl.BlockSpec((1, D), lambda i: (0, 0)),
            pl.BlockSpec((_BR, 1), lambda i: (i, 0)),
        ],
        out_specs=pl.BlockSpec((_BR, D), lambda i: (i, 0)),
        out_shape=jax.ShapeDtypeStruct((R, D), jnp.float32),
    )(x, w, b, scale)


def _stage_body(parts_ref, inv_ref, w_ref, b_ref, scale_ref, o_ref):
    z = (parts_ref[0] + parts_ref[1]) * inv_ref[...]
    z = jnp.maximum(z, 0.0)
    y = jnp.dot(z, w_ref[...], preferred_element_type=jnp.float32)
    o_ref[...] = (y + b_ref[...]) * scale_ref[...]


@jax.jit
def _stage_tc(parts, inv, w, b, scale):
    return pl.pallas_call(
        _stage_body,
        grid=(R // _BR,),
        in_specs=[
            pl.BlockSpec((NC, _BR, D), lambda i: (0, i, 0)),
            pl.BlockSpec((_BR, 1), lambda i: (i, 0)),
            pl.BlockSpec((D, D), lambda i: (0, 0)),
            pl.BlockSpec((1, D), lambda i: (0, 0)),
            pl.BlockSpec((_BR, 1), lambda i: (i, 0)),
        ],
        out_specs=pl.BlockSpec((_BR, D), lambda i: (i, 0)),
        out_shape=jax.ShapeDtypeStruct((R, D), jnp.float32),
    )(parts, inv, w, b, scale)


def _combine_body(parts_ref, inv_ref, o_ref, *, relu):
    z = (parts_ref[0] + parts_ref[1]) * inv_ref[...]
    if relu:
        z = jnp.maximum(z, 0.0)
    o_ref[...] = z


@functools.partial(jax.jit, static_argnames=("relu",))
def _combine_tc(parts, inv, relu):
    return pl.pallas_call(
        functools.partial(_combine_body, relu=relu),
        grid=(R // _BR,),
        in_specs=[
            pl.BlockSpec((NC, _BR, D), lambda i: (0, i, 0)),
            pl.BlockSpec((_BR, 1), lambda i: (i, 0)),
        ],
        out_specs=pl.BlockSpec((_BR, D), lambda i: (i, 0)),
        out_shape=jax.ShapeDtypeStruct((R, D), jnp.float32),
    )(parts, inv)



def kernel(x, hyperedge_index, W0v, b0v, W0e, b0e, W1v, b1v, W1e, b1e):
    src = hyperedge_index[0]
    eid = hyperedge_index[1]
    pad = jnp.full((NNZ_PAD - NNZ,), PAD_IDX, jnp.int32)
    src_p = jnp.concatenate([src, pad])
    eid_p = jnp.concatenate([eid, pad])

    x_p = jnp.pad(x, ((0, R - N), (0, 0)))
    zrows = jnp.zeros((RPT, D), jnp.float32)
    zvec = jnp.zeros((RPT,), jnp.float32)

    deg_parts = _degrees(src_p, eid_p, zvec).reshape(NC, 2, R)
    dv_beta, de_alpha = _prep_tc(deg_parts)

    norm_parts = _norms(src_p, eid_p, dv_beta, de_alpha, zvec).reshape(NC, 2, R)
    e_inv, v_inv = _norminv_tc(norm_parts)

    dvb2 = dv_beta.reshape(R, 1)
    dea2 = de_alpha.reshape(R, 1)
    ei2 = e_inv.reshape(R, 1)
    vi2 = v_inv.reshape(R, 1)

    def one_layer(h, Wv, bv, We, be):
        hs = _mm_tc(h, Wv, bv.reshape(1, D), dvb2)
        e_parts = _spmm(hs, src_p, eid_p, zrows).reshape(NC, R, D)
        h2s = _stage_tc(e_parts, ei2, We, be.reshape(1, D), dea2)
        n_parts = _spmm(h2s, eid_p, src_p, zrows).reshape(NC, R, D)
        return n_parts

    n0 = one_layer(x_p, W0v, b0v, W0e, b0e)
    h1 = _combine_tc(n0, vi2, relu=True)
    n1 = one_layer(h1, W1v, b1v, W1e, b1e)
    out = _combine_tc(n1, vi2, relu=False)
    return out[:N]

# --- scband reference (transcript-rebuilt; emitter-appended) ---
"""Pipeline reference for scband-hnhn-23493471109501 (READ-ONLY COPY).

The authoritative reference and input builder live on the scoring server;
editing this copy changes nothing except your own understanding.
"""

import jax, jax.numpy as jnp
import numpy as np

N_NODES = 10000
N_HEDGES = 10000
NNZ = 320000
D = 128
ALPHA = -1.5
BETA = -0.5


def _glorot(k, shape):
    lim = float(np.sqrt(6.0 / (shape[0] + shape[1])))
    return jax.random.uniform(k, shape, jnp.float32, -lim, lim)


def setup_inputs(seed: int = 0) -> dict:
    key = jax.random.key(seed)
    ks = jax.random.split(key, 8)
    x = jax.random.normal(ks[0], (N_NODES, D), dtype=jnp.float32)
    hyperedge_index = jax.random.randint(ks[1], (2, NNZ), 0, N_NODES).astype(jnp.int32)
    return {
        "x": x,
        "hyperedge_index": hyperedge_index,
        "W0v": _glorot(ks[2], (D, D)), "b0v": jnp.zeros((D,), jnp.float32),
        "W0e": _glorot(ks[3], (D, D)), "b0e": jnp.zeros((D,), jnp.float32),
        "W1v": _glorot(ks[4], (D, D)), "b1v": jnp.zeros((D,), jnp.float32),
        "W1e": _glorot(ks[5], (D, D)), "b1e": jnp.zeros((D,), jnp.float32),
    }


def _conv(x, src, eid, Wv, bv, We, be, dv_beta, e_norm_inv, de_alpha, v_norm_inv, nonlinear):
    # node -> hyperedge (HNHN edge update with d(v)^beta weights)
    h = x @ Wv + bv
    msg = h[src] * dv_beta[src][:, None]
    e = jax.ops.segment_sum(msg, eid, num_segments=N_HEDGES) * e_norm_inv[:, None]
    if nonlinear:
        e = jax.nn.relu(e)
    # hyperedge -> node (HNHN node update with |e|^alpha weights)
    h2 = e @ We + be
    msg2 = h2[eid] * de_alpha[eid][:, None]
    out = jax.ops.segment_sum(msg2, src, num_segments=N_NODES) * v_norm_inv[:, None]
    return out


def reference(x, hyperedge_index, W0v, b0v, W0e, b0e, W1v, b1v, W1e, b1e):
    src = hyperedge_index[0]
    eid = hyperedge_index[1]
    d_v = jnp.maximum(jnp.bincount(src, length=N_NODES).astype(jnp.float32), 1.0)
    d_e = jnp.maximum(jnp.bincount(eid, length=N_HEDGES).astype(jnp.float32), 1.0)
    dv_beta = d_v ** BETA
    de_alpha = d_e ** ALPHA
    e_norm_inv = 1.0 / jnp.maximum(jax.ops.segment_sum(dv_beta[src], eid, num_segments=N_HEDGES), 1e-12)
    v_norm_inv = 1.0 / jnp.maximum(jax.ops.segment_sum(de_alpha[eid], src, num_segments=N_NODES), 1e-12)
    # layer 0 + relu (dropout is identity in eval mode)
    h = _conv(x, src, eid, W0v, b0v, W0e, b0e, dv_beta, e_norm_inv, de_alpha, v_norm_inv, True)
    h = jax.nn.relu(h)
    # layer 1 (output layer)
    out = _conv(h, src, eid, W1v, b1v, W1e, b1e, dv_beta, e_norm_inv, de_alpha, v_norm_inv, True)
    return out

if __name__ == "__main__":
    import jax
    _d = setup_inputs()
    print(jax.jit(kernel)(*tuple(_d.values())))

</pallas_src>

<mosaic_0001>
#map = affine_map<(d0, d1) -> (0)>
module attributes {stable_mosaic.version = 14 : i64} {
  func.func @_degrees_body(%arg0: i32, %arg1: i32, %arg2: memref<327680xi32, #tpu.memory_space<hbm>>, %arg3: memref<327680xi32, #tpu.memory_space<hbm>>, %arg4: memref<640xf32, #tpu.memory_space<hbm>>, %arg5: memref<40960xf32, #tpu.memory_space<hbm>>, %arg6: memref<1x128xi32, #tpu.memory_space<vmem>>, %arg7: memref<128xf32, #tpu.memory_space<vmem>>, %arg8: memref<10240xf32, #tpu.memory_space<vmem_shared>>, %arg9: memref<10240xf32, #tpu.memory_space<vmem_shared>>) attributes {dimension_semantics = [#tpu.dimension_semantics<core_parallel>, #tpu.dimension_semantics<subcore_parallel>], iteration_bounds = array<i64: 2, 16>, scalar_prefetch = 0 : i64, scratch_operands = 4 : i64, tpu.core_type = #tpu.core_type<sc_vector_subcore>, window_params = [{transform_indices = #map}, {transform_indices = #map}, {transform_indices = #map}, {transform_indices = #map}]} {
    %mul3A = arith.constant 16 : i32
    %mul3A_0 = arith.muli %arg0, %mul3A : i32
    %add3A = arith.addi %mul3A_0, %arg1 : i32
    %mul3A_1 = arith.constant 80 : i32
    %mul3A_2 = arith.muli %add3A, %mul3A_1 : i32
    %broadcast_in_dim3A = arith.constant 1.000000e+00 : f32
    %broadcast_in_dim3A_3 = vector.broadcast %broadcast_in_dim3A : f32 to vector<16xf32>
    %swap3A = arith.constant 0 : index
    %swap3A_4 = tpu.vector_load %arg7[%swap3A] {strides = array<i32>} : memref<128xf32, #tpu.memory_space<vmem>>, vector<16xf32>,
    %swap3A_5 = vector.shape_cast %swap3A_4 : vector<16xf32> to vector<16xf32>
    %swap3A_6 = vector.shape_cast %broadcast_in_dim3A_3 : vector<16xf32> to vector<16xf32>
    tpu.vector_store %arg7[%swap3A], %swap3A_6 {strides = array<i32>} : memref<128xf32, #tpu.memory_space<vmem>>, vector<16xf32>,
    %broadcast_in_dim3A_7 = arith.constant 1.000000e+00 : f32
    %broadcast_in_dim3A_8 = vector.broadcast %broadcast_in_dim3A_7 : f32 to vector<16xf32>
    %swap3A_9 = arith.constant 16 : index
    %swap3A_10 = tpu.vector_load %arg7[%swap3A_9] {strides = array<i32>} : memref<128xf32, #tpu.memory_space<vmem>>, vector<16xf32>,
    %swap3A_11 = vector.shape_cast %swap3A_10 : vector<16xf32> to vector<16xf32>
    %swap3A_12 = vector.shape_cast %broadcast_in_dim3A_8 : vector<16xf32> to vector<16xf32>
    tpu.vector_store %arg7[%swap3A_9], %swap3A_12 {strides = array<i32>} : memref<128xf32, #tpu.memory_space<vmem>>, vector<16xf32>,
    %broadcast_in_dim3A_13 = arith.constant 1.000000e+00 : f32
    %broadcast_in_dim3A_14 = vector.broadcast %broadcast_in_dim3A_13 : f32 to vector<16xf32>
    %swap3A_15 = arith.constant 32 : index
    %swap3A_16 = tpu.vector_load %arg7[%swap3A_15] {strides = array<i32>} : memref<128xf32, #tpu.memory_space<vmem>>, vector<16xf32>,
    %swap3A_17 = vector.shape_cast %swap3A_16 : vector<16xf32> to vector<16xf32>
    %swap3A_18 = vector.shape_cast %broadcast_in_dim3A_14 : vector<16xf32> to vector<16xf32>
    tpu.vector_store %arg7[%swap3A_15], %swap3A_18 {strides = array<i32>} : memref<128xf32, #tpu.memory_space<vmem>>, vector<16xf32>,
    %broadcast_in_dim3A_19 = arith.constant 1.000000e+00 : f32
    %broadcast_in_dim3A_20 = vector.broadcast %broadcast_in_dim3A_19 : f32 to vector<16xf32>
    %swap3A_21 = arith.constant 48 : index
    %swap3A_22 = tpu.vector_load %arg7[%swap3A_21] {strides = array<i32>} : memref<128xf32, #tpu.memory_space<vmem>>, vector<16xf32>,
    %swap3A_23 = vector.shape_cast %swap3A_22 : vector<16xf32> to vector<16xf32>
    %swap3A_24 = vector.shape_cast %broadcast_in_dim3A_20 : vector<16xf32> to vector<16xf32>
    tpu.vector_store %arg7[%swap3A_21], %swap3A_24 {strides = array<i32>} : memref<128xf32, #tpu.memory_space<vmem>>, vector<16xf32>,
    %broadcast_in_dim3A_25 = arith.constant 1.000000e+00 : f32
    %broadcast_in_dim3A_26 = vector.broadcast %broadcast_in_dim3A_25 : f32 to vector<16xf32>
    %swap3A_27 = arith.constant 64 : index
    %swap3A_28 = tpu.vector_load %arg7[%swap3A_27] {strides = array<i32>} : memref<128xf32, #tpu.memory_space<vmem>>, vector<16xf32>,
    %swap3A_29 = vector.shape_cast %swap3A_28 : vector<16xf32> to vector<16xf32>
    %swap3A_30 = vector.shape_cast %broadcast_in_dim3A_26 : vector<16xf32> to vector<16xf32>
    tpu.vector_store %arg7[%swap3A_27], %swap3A_30 {strides = array<i32>} : memref<128xf32, #tpu.memory_space<vmem>>, vector<16xf32>,
    %broadcast_in_dim3A_31 = arith.constant 1.000000e+00 : f32
    %broadcast_in_dim3A_32 = vector.broadcast %broadcast_in_dim3A_31 : f32 to vector<16xf32>
    %swap3A_33 = arith.constant 80 : index
    %swap3A_34 = tpu.vector_load %arg7[%swap3A_33] {strides = array<i32>} : memref<128xf32, #tpu.memory_space<vmem>>, vector<16xf32>,
    %swap3A_35 = vector.shape_cast %swap3A_34 : vector<16xf32> to vector<16xf32>
    %swap3A_36 = vector.shape_cast %broadcast_in_dim3A_32 : vector<16xf32> to vector<16xf32>
    tpu.vector_store %arg7[%swap3A_33], %swap3A_36 {strides = array<i32>} : memref<128xf32, #tpu.memory_space<vmem>>, vector<16xf32>,
    %broadcast_in_dim3A_37 = arith.constant 1.000000e+00 : f32
    %broadcast_in_dim3A_38 = vector.broadcast %broadcast_in_dim3A_37 : f32 to vector<16xf32>
    %swap3A_39 = arith.constant 96 : index
    %swap3A_40 = tpu.vector_load %arg7[%swap3A_39] {strides = array<i32>} : memref<128xf32, #tpu.memory_space<vmem>>, vector<16xf32>,
    %swap3A_41 = vector.shape_cast %swap3A_40 : vector<16xf32> to vector<16xf32>
    %swap3A_42 = vector.shape_cast %broadcast_in_dim3A_38 : vector<16xf32> to vector<16xf32>
    tpu.vector_store %arg7[%swap3A_39], %swap3A_42 {strides = array<i32>} : memref<128xf32, #tpu.memory_space<vmem>>, vector<16xf32>,
    %broadcast_in_dim3A_43 = arith.constant 1.000000e+00 : f32
    %broadcast_in_dim3A_44 = vector.broadcast %broadcast_in_dim3A_43 : f32 to vector<16xf32>
    %swap3A_45 = arith.constant 112 : index
    %swap3A_46 = tpu.vector_load %arg7[%swap3A_45] {strides = array<i32>} : memref<128xf32, #tpu.memory_space<vmem>>, vector<16xf32>,
    %swap3A_47 = vector.shape_cast %swap3A_46 : vector<16xf32> to vector<16xf32>
    %swap3A_48 = vector.shape_cast %broadcast_in_dim3A_44 : vector<16xf32> to vector<16xf32>
    tpu.vector_store %arg7[%swap3A_45], %swap3A_48 {strides = array<i32>} : memref<128xf32, #tpu.memory_space<vmem>>, vector<16xf32>,
    %mul3A_49 = arith.constant 640 : i32
    %mul3A_50 = arith.muli %arg1, %mul3A_49 : i32
    "tpu.region"() ({
      %run_scoped3A = tpu.sem_alloc : memref<!tpu.dma_semaphore, #tpu.memory_space<semaphore_mem>>
      %dma_start3A = tpu.memref_slice %arg8[%mul3A_50] : memref<10240xf32, #tpu.memory_space<vmem_shared>> -> memref<640xf32, #tpu.memory_space<vmem_shared>>
      tpu.enqueue_dma source(%arg4 : memref<640xf32, #tpu.memory_space<hbm>>) target(%dma_start3A : memref<640xf32, #tpu.memory_space<vmem_shared>>) target_semaphore(%run_scoped3A : memref<!tpu.dma_semaphore, #tpu.memory_space<semaphore_mem>>)
      %dma_wait3A = tpu.memref_slice %arg8[%mul3A_50] : memref<10240xf32, #tpu.memory_space<vmem_shared>> -> memref<640xf32, #tpu.memory_space<vmem_shared>>
      tpu.wait_dma2 semaphore(%run_scoped3A : memref<!tpu.dma_semaphore, #tpu.memory_space<semaphore_mem>>) src(%arg4 : memref<640xf32, #tpu.memory_space<hbm>>) dst(%dma_wait3A : memref<640xf32, #tpu.memory_space<vmem_shared>>)
      tpu.yield
    }) : () -> ()
    %mul3A_51 = arith.constant 640 : i32
    %mul3A_52 = arith.muli %arg1, %mul3A_51 : i32
    "tpu.region"() ({
      %run_scoped3A = tpu.sem_alloc : memref<!tpu.dma_semaphore, #tpu.memory_space<semaphore_mem>>
      %dma_start3A = tpu.memref_slice %arg9[%mul3A_52] : memref<10240xf32, #tpu.memory_space<vmem_shared>> -> memref<640xf32, #tpu.memory_space<vmem_shared>>
      tpu.enqueue_dma source(%arg4 : memref<640xf32, #tpu.memory_space<hbm>>) target(%dma_start3A : memref<640xf32, #tpu.memory_space<vmem_shared>>) target_semaphore(%run_scoped3A : memref<!tpu.dma_semaphore, #tpu.memory_space<semaphore_mem>>)
      %dma_wait3A = tpu.memref_slice %arg9[%mul3A_52] : memref<10240xf32, #tpu.memory_space<vmem_shared>> -> memref<640xf32, #tpu.memory_space<vmem_shared>>
      tpu.wait_dma2 semaphore(%run_scoped3A : memref<!tpu.dma_semaphore, #tpu.memory_space<semaphore_mem>>) src(%arg4 : memref<640xf32, #tpu.memory_space<hbm>>) dst(%dma_wait3A : memref<640xf32, #tpu.memory_space<vmem_shared>>)
      tpu.yield
    }) : () -> ()
    %barrier3A = arith.constant 0 : index
    tpu.barrier barrier_id(%barrier3A)
    %scan3A = arith.constant 0 : i32
    %scan3A_53 = arith.constant 0 : i32
    %scan3A_54 = arith.constant 80 : i32
    %scan3A_55 = arith.addi %scan3A_53, %scan3A_54 : i32
    %scan3A_56 = arith.constant 1 : i32
    scf.for %scan3A_81 = %scan3A_53 to %scan3A_55 step %scan3A_56  : i32 {
      %add3A_82 = arith.addi %mul3A_2, %scan3A_81 : i32
      %mul3A_83 = arith.constant 128 : i32
      %mul3A_84 = arith.muli %add3A_82, %mul3A_83 : i32
      %multiple_of3A = tpu.assume_multiple %mul3A_84, 128 : i32
      %run_scoped3A = arith.constant 0 : i32
      "tpu.region"() ({
        %run_scoped3A_88 = tpu.sem_alloc : memref<!tpu.dma_semaphore, #tpu.memory_space<semaphore_mem>>
        %dma_start3A = arith.constant 0 : i32
        %dma_start3A_89 = tpu.memref_slice %arg6[%run_scoped3A, %dma_start3A] : memref<1x128xi32, #tpu.memory_space<vmem>> -> memref<1x128xi32, #tpu.memory_space<vmem>>
        %dma_start3A_90 = tpu.memref_squeeze %dma_start3A_89 : memref<1x128xi32, #tpu.memory_space<vmem>> -> memref<128xi32, #tpu.memory_space<vmem>>
        %dma_start3A_91 = tpu.memref_slice %arg2[%multiple_of3A] : memref<327680xi32, #tpu.memory_space<hbm>> -> memref<128xi32, #tpu.memory_space<hbm>>
        %dma_start3A_92 = arith.constant 0 : i32
        %dma_start3A_93 = tpu.memref_slice %arg6[%run_scoped3A, %dma_start3A_92] : memref<1x128xi32, #tpu.memory_space<vmem>> -> memref<1x128xi32, #tpu.memory_space<vmem>>
        %dma_start3A_94 = tpu.memref_squeeze %dma_start3A_93 : memref<1x128xi32, #tpu.memory_space<vmem>> -> memref<128xi32, #tpu.memory_space<vmem>>
        %dma_start3A_95 = tpu.memref_slice %arg2[%multiple_of3A] : memref<327680xi32, #tpu.memory_space<hbm>> -> memref<128xi32, #tpu.memory_space<hbm>>
        tpu.enqueue_dma source(%dma_start3A_95 : memref<128xi32, #tpu.memory_space<hbm>>) target(%dma_start3A_94 : memref<128xi32, #tpu.memory_space<vmem>>) target_semaphore(%run_scoped3A_88 : memref<!tpu.dma_semaphore, #tpu.memory_space<semaphore_mem>>)
        %dma_wait3A = arith.constant 0 : i32
        %dma_wait3A_96 = tpu.memref_slice %arg6[%run_scoped3A, %dma_wait3A] : memref<1x128xi32, #tpu.memory_space<vmem>> -> memref<1x128xi32, #tpu.memory_space<vmem>>
        %dma_wait3A_97 = tpu.memref_squeeze %dma_wait3A_96 : memref<1x128xi32, #tpu.memory_space<vmem>> -> memref<128xi32, #tpu.memory_space<vmem>>
        %dma_wait3A_98 = tpu.memref_slice %arg2[%multiple_of3A] : memref<327680xi32, #tpu.memory_space<hbm>> -> memref<128xi32, #tpu.memory_space<hbm>>
        %dma_wait3A_99 = arith.constant 0 : i32
        %dma_wait3A_100 = tpu.memref_slice %arg6[%run_scoped3A, %dma_wait3A_99] : memref<1x128xi32, #tpu.memory_space<vmem>> -> memref<1x128xi32, #tpu.memory_space<vmem>>
        %dma_wait3A_101 = tpu.memref_squeeze %dma_wait3A_100 : memref<1x128xi32, #tpu.memory_space<vmem>> -> memref<128xi32, #tpu.memory_space<vmem>>
        %dma_wait3A_102 = tpu.memref_slice %arg2[%multiple_of3A] : memref<327680xi32, #tpu.memory_space<hbm>> -> memref<128xi32, #tpu.memory_space<hbm>>
        tpu.wait_dma2 semaphore(%run_scoped3A_88 : memref<!tpu.dma_semaphore, #tpu.memory_space<semaphore_mem>>) src(%dma_wait3A_102 : memref<128xi32, #tpu.memory_space<hbm>>) dst(%dma_wait3A_101 : memref<128xi32, #tpu.memory_space<vmem>>)
        tpu.yield
      }) : () -> ()
      %run_scoped3A_85 = arith.constant 0 : i32
      "tpu.region"() ({
        %run_scoped3A_88 = tpu.sem_alloc : memref<!tpu.dma_semaphore, #tpu.memory_space<semaphore_mem>>
        %dma_start3A = arith.constant 0 : i32
        %dma_start3A_89 = tpu.memref_slice %arg6[%run_scoped3A_85, %dma_start3A] : memref<1x128xi32, #tpu.memory_space<vmem>> -> memref<1x128xi32, #tpu.memory_space<vmem>>
        %dma_start3A_90 = tpu.memref_squeeze %dma_start3A_89 : memref<1x128xi32, #tpu.memory_space<vmem>> -> memref<128xi32, #tpu.memory_space<vmem>>
        %dma_start3A_91 = arith.constant 0 : i32
        %dma_start3A_92 = tpu.memref_slice %arg8[%dma_start3A_91] : memref<10240xf32, #tpu.memory_space<vmem_shared>> -> memref<10240xf32, #tpu.memory_space<vmem_shared>>
        tpu.enqueue_indirect_dma source(%arg7 : memref<128xf32, #tpu.memory_space<vmem>>) target(%dma_start3A_92 : memref<10240xf32, #tpu.memory_space<vmem_shared>>) offsets(%dma_start3A_90 : memref<128xi32, #tpu.memory_space<vmem>>) semaphore(%run_scoped3A_88 : memref<!tpu.dma_semaphore, #tpu.memory_space<semaphore_mem>>) {add = true}
        %dma_wait3A = arith.constant 0 : i32
        %dma_wait3A_93 = tpu.memref_slice %arg6[%run_scoped3A_85, %dma_wait3A] : memref<1x128xi32, #tpu.memory_space<vmem>> -> memref<1x128xi32, #tpu.memory_space<vmem>>
        %dma_wait3A_94 = tpu.memref_squeeze %dma_wait3A_93 : memref<1x128xi32, #tpu.memory_space<vmem>> -> memref<128xi32, #tpu.memory_space<vmem>>
        %dma_wait3A_95 = arith.constant 0 : i32
        %dma_wait3A_96 = tpu.memref_slice %arg8[%dma_wait3A_95] : memref<10240xf32, #tpu.memory_space<vmem_shared>> -> memref<10240xf32, #tpu.memory_space<vmem_shared>>
        tpu.wait_indirect_dma semaphore(%run_scoped3A_88 : memref<!tpu.dma_semaphore, #tpu.memory_space<semaphore_mem>>) src(%arg7 : memref<128xf32, #tpu.memory_space<vmem>>) dst(%dma_wait3A_96 : memref<10240xf32, #tpu.memory_space<vmem_shared>>)
        tpu.yield
      }) : () -> ()
      %run_scoped3A_86 = arith.constant 0 : i32
      "tpu.region"() ({
        %run_scoped3A_88 = tpu.sem_alloc : memref<!tpu.dma_semaphore, #tpu.memory_space<semaphore_mem>>
        %dma_start3A = arith.constant 0 : i32
        %dma_start3A_89 = tpu.memref_slice %arg6[%run_scoped3A_86, %dma_start3A] : memref<1x128xi32, #tpu.memory_space<vmem>> -> memref<1x128xi32, #tpu.memory_space<vmem>>
        %dma_start3A_90 = tpu.memref_squeeze %dma_start3A_89 : memref<1x128xi32, #tpu.memory_space<vmem>> -> memref<128xi32, #tpu.memory_space<vmem>>
        %dma_start3A_91 = tpu.memref_slice %arg3[%multiple_of3A] : memref<327680xi32, #tpu.memory_space<hbm>> -> memref<128xi32, #tpu.memory_space<hbm>>
        %dma_start3A_92 = arith.constant 0 : i32
        %dma_start3A_93 = tpu.memref_slice %arg6[%run_scoped3A_86, %dma_start3A_92] : memref<1x128xi32, #tpu.memory_space<vmem>> -> memref<1x128xi32, #tpu.memory_space<vmem>>
        %dma_start3A_94 = tpu.memref_squeeze %dma_start3A_93 : memref<1x128xi32, #tpu.memory_space<vmem>> -> memref<128xi32, #tpu.memory_space<vmem>>
        %dma_start3A_95 = tpu.memref_slice %arg3[%multiple_of3A] : memref<327680xi32, #tpu.memory_space<hbm>> -> memref<128xi32, #tpu.memory_space<hbm>>
        tpu.enqueue_dma source(%dma_start3A_95 : memref<128xi32, #tpu.memory_space<hbm>>) target(%dma_start3A_94 : memref<128xi32, #tpu.memory_space<vmem>>) target_semaphore(%run_scoped3A_88 : memref<!tpu.dma_semaphore, #tpu.memory_space<semaphore_mem>>)
        %dma_wait3A = arith.constant 0 : i32
        %dma_wait3A_96 = tpu.memref_slice %arg6[%run_scoped3A_86, %dma_wait3A] : memref<1x128xi32, #tpu.memory_space<vmem>> -> memref<1x128xi32, #tpu.memory_space<vmem>>
        %dma_wait3A_97 = tpu.memref_squeeze %dma_wait3A_96 : memref<1x128xi32, #tpu.memory_space<vmem>> -> memref<128xi32, #tpu.memory_space<vmem>>
        %dma_wait3A_98 = tpu.memref_slice %arg3[%multiple_of3A] : memref<327680xi32, #tpu.memory_space<hbm>> -> memref<128xi32, #tpu.memory_space<hbm>>
        %dma_wait3A_99 = arith.constant 0 : i32
        %dma_wait3A_100 = tpu.memref_slice %arg6[%run_scoped3A_86, %dma_wait3A_99] : memref<1x128xi32, #tpu.memory_space<vmem>> -> memref<1x128xi32, #tpu.memory_space<vmem>>
        %dma_wait3A_101 = tpu.memref_squeeze %dma_wait3A_100 : memref<1x128xi32, #tpu.memory_space<vmem>> -> memref<128xi32, #tpu.memory_space<vmem>>
        %dma_wait3A_102 = tpu.memref_slice %arg3[%multiple_of3A] : memref<327680xi32, #tpu.memory_space<hbm>> -> memref<128xi32, #tpu.memory_space<hbm>>
        tpu.wait_dma2 semaphore(%run_scoped3A_88 : memref<!tpu.dma_semaphore, #tpu.memory_space<semaphore_mem>>) src(%dma_wait3A_102 : memref<128xi32, #tpu.memory_space<hbm>>) dst(%dma_wait3A_101 : memref<128xi32, #tpu.memory_space<vmem>>)
        tpu.yield
      }) : () -> ()
      %run_scoped3A_87 = arith.constant 0 : i32
      "tpu.region"() ({
        %run_scoped3A_88 = tpu.sem_alloc : memref<!tpu.dma_semaphore, #tpu.memory_space<semaphore_mem>>
        %dma_start3A = arith.constant 0 : i32
        %dma_start3A_89 = tpu.memref_slice %arg6[%run_scoped3A_87, %dma_start3A] : memref<1x128xi32, #tpu.memory_space<vmem>> -> memref<1x128xi32, #tpu.memory_space<vmem>>
        %dma_start3A_90 = tpu.memref_squeeze %dma_start3A_89 : memref<1x128xi32, #tpu.memory_space<vmem>> -> memref<128xi32, #tpu.memory_space<vmem>>
        %dma_start3A_91 = arith.constant 0 : i32
        %dma_start3A_92 = tpu.memref_slice %arg9[%dma_start3A_91] : memref<10240xf32, #tpu.memory_space<vmem_shared>> -> memref<10240xf32, #tpu.memory_space<vmem_shared>>
        tpu.enqueue_indirect_dma source(%arg7 : memref<128xf32, #tpu.memory_space<vmem>>) target(%dma_start3A_92 : memref<10240xf32, #tpu.memory_space<vmem_shared>>) offsets(%dma_start3A_90 : memref<128xi32, #tpu.memory_space<vmem>>) semaphore(%run_scoped3A_88 : memref<!tpu.dma_semaphore, #tpu.memory_space<semaphore_mem>>) {add = true}
        %dma_wait3A = arith.constant 0 : i32
        %dma_wait3A_93 = tpu.memref_slice %arg6[%run_scoped3A_87, %dma_wait3A] : memref<1x128xi32, #tpu.memory_space<vmem>> -> memref<1x128xi32, #tpu.memory_space<vmem>>
        %dma_wait3A_94 = tpu.memref_squeeze %dma_wait3A_93 : memref<1x128xi32, #tpu.memory_space<vmem>> -> memref<128xi32, #tpu.memory_space<vmem>>
        %dma_wait3A_95 = arith.constant 0 : i32
        %dma_wait3A_96 = tpu.memref_slice %arg9[%dma_wait3A_95] : memref<10240xf32, #tpu.memory_space<vmem_shared>> -> memref<10240xf32, #tpu.memory_space<vmem_shared>>
        tpu.wait_indirect_dma semaphore(%run_scoped3A_88 : memref<!tpu.dma_semaphore, #tpu.memory_space<semaphore_mem>>) src(%arg7 : memref<128xf32, #tpu.memory_space<vmem>>) dst(%dma_wait3A_96 : memref<10240xf32, #tpu.memory_space<vmem_shared>>)
        tpu.yield
      }) : () -> ()
    }
    %scan3A_57 = arith.constant 80 : i32
    %barrier3A_58 = arith.constant 0 : index
    tpu.barrier barrier_id(%barrier3A_58)
    %mul3A_59 = arith.constant 640 : i32
    %mul3A_60 = arith.muli %arg1, %mul3A_59 : i32
    %mul3A_61 = arith.constant 2 : i32
    %mul3A_62 = arith.muli %arg0, %mul3A_61 : i32
    %add3A_63 = arith.constant 0 : i32
    %add3A_64 = arith.addi %mul3A_62, %add3A_63 : i32
    %mul3A_65 = arith.constant 10240 : i32
    %mul3A_66 = arith.muli %add3A_64, %mul3A_65 : i32
    %mul3A_67 = arith.constant 640 : i32
    %mul3A_68 = arith.muli %arg1, %mul3A_67 : i32
    %add3A_69 = arith.addi %mul3A_66, %mul3A_68 : i32
    "tpu.region"() ({
      %run_scoped3A = tpu.sem_alloc : memref<!tpu.dma_semaphore, #tpu.memory_space<semaphore_mem>>
      %dma_start3A = tpu.memref_slice %arg5[%add3A_69] : memref<40960xf32, #tpu.memory_space<hbm>> -> memref<640xf32, #tpu.memory_space<hbm>>
      %dma_start3A_81 = tpu.memref_slice %arg8[%mul3A_60] : memref<10240xf32, #tpu.memory_space<vmem_shared>> -> memref<640xf32, #tpu.memory_space<vmem_shared>>
      tpu.enqueue_dma source(%dma_start3A_81 : memref<640xf32, #tpu.memory_space<vmem_shared>>) target(%dma_start3A : memref<640xf32, #tpu.memory_space<hbm>>) target_semaphore(%run_scoped3A : memref<!tpu.dma_semaphore, #tpu.memory_space<semaphore_mem>>)
      %dma_wait3A = tpu.memref_slice %arg5[%add3A_69] : memref<40960xf32, #tpu.memory_space<hbm>> -> memref<640xf32, #tpu.memory_space<hbm>>
      %dma_wait3A_82 = tpu.memref_slice %arg8[%mul3A_60] : memref<10240xf32, #tpu.memory_space<vmem_shared>> -> memref<640xf32, #tpu.memory_space<vmem_shared>>
      tpu.wait_dma2 semaphore(%run_scoped3A : memref<!tpu.dma_semaphore, #tpu.memory_space<semaphore_mem>>) src(%dma_wait3A_82 : memref<640xf32, #tpu.memory_space<vmem_shared>>) dst(%dma_wait3A : memref<640xf32, #tpu.memory_space<hbm>>)
      tpu.yield
    }) : () -> ()
    %mul3A_70 = arith.constant 640 : i32
    %mul3A_71 = arith.muli %arg1, %mul3A_70 : i32
    %mul3A_72 = arith.constant 2 : i32
    %mul3A_73 = arith.muli %arg0, %mul3A_72 : i32
    %add3A_74 = arith.constant 1 : i32
    %add3A_75 = arith.addi %mul3A_73, %add3A_74 : i32
    %mul3A_76 = arith.constant 10240 : i32
    %mul3A_77 = arith.muli %add3A_75, %mul3A_76 : i32
    %mul3A_78 = arith.constant 640 : i32
    %mul3A_79 = arith.muli %arg1, %mul3A_78 : i32
    %add3A_80 = arith.addi %mul3A_77, %mul3A_79 : i32
    "tpu.region"() ({
      %run_scoped3A = tpu.sem_alloc : memref<!tpu.dma_semaphore, #tpu.memory_space<semaphore_mem>>
      %dma_start3A = tpu.memref_slice %arg5[%add3A_80] : memref<40960xf32, #tpu.memory_space<hbm>> -> memref<640xf32, #tpu.memory_space<hbm>>
      %dma_start3A_81 = tpu.memref_slice %arg9[%mul3A_71] : memref<10240xf32, #tpu.memory_space<vmem_shared>> -> memref<640xf32, #tpu.memory_space<vmem_shared>>
      tpu.enqueue_dma source(%dma_start3A_81 : memref<640xf32, #tpu.memory_space<vmem_shared>>) target(%dma_start3A : memref<640xf32, #tpu.memory_space<hbm>>) target_semaphore(%run_scoped3A : memref<!tpu.dma_semaphore, #tpu.memory_space<semaphore_mem>>)
      %dma_wait3A = tpu.memref_slice %arg5[%add3A_80] : memref<40960xf32, #tpu.memory_space<hbm>> -> memref<640xf32, #tpu.memory_space<hbm>>
      %dma_wait3A_82 = tpu.memref_slice %arg9[%mul3A_71] : memref<10240xf32, #tpu.memory_space<vmem_shared>> -> memref<640xf32, #tpu.memory_space<vmem_shared>>
      tpu.wait_dma2 semaphore(%run_scoped3A : memref<!tpu.dma_semaphore, #tpu.memory_space<semaphore_mem>>) src(%dma_wait3A_82 : memref<640xf32, #tpu.memory_space<vmem_shared>>) dst(%dma_wait3A : memref<640xf32, #tpu.memory_space<hbm>>)
      tpu.yield
    }) : () -> ()
    return
  }
}

</mosaic_0001>

<sc_bundles>
// kernel: _degrees.3.cloned.1.call-start
scs
__scs_entry_jumppad:
0x0: {  	(pc) =	sbr.rel $0x88, $3  }
0x1: {  	(tag) =	ssettag $0x0;
	lr =	simm.s32 $0x1  }
0x2: {  	[smem:$0x3F9E] =	sst lr;
	_ =	strace $0xD0000000  }
0x3: {  	_ = 	snop  }
0x4: {  	_ = 	snop  }
0x5: {  	_ = 	snop  }
0x6: {  	_ = 	snop  }
0x7: {  	_ = 	snop  }
__scs_overlays_trampoline_lowered:
0x8: {  	[smem:$0x3FAD] =	sst s0  }
0x9: {  	[smem:$0x3FAE] =	sst s1  }
0xa: {  	[smem:$0x3FAF] =	sst s2  }
0xb: {  	[smem:$0x3FB0] =	sst s3  }
0xc: {  	[smem:$0x3FB1] =	sst s4  }
0xd: {  	[smem:$0x3FB2] =	sst s5  }
0xe: {  	[smem:$0x3FB3] =	sst s6  }
0xf: {  	[smem:$0x3FB4] =	sst s7  }
0x10: {  	[smem:$0x3FB5] =	sst s8  }
0x11: {  	[smem:$0x3FB6] =	sst s9;
	s0 =	simm.s32 @!p0 $0x0  }
0x12: {  	s1 =	sld [smem:$0x3F9C];
	s0 =	simm.s32 @p0 $0x1  }
0x13: {  	[smem:$0x3FB7] =	sst s0;
	s0 =	simm.s32 @!p1 $0x0  }
0x14: {  	s2 =	sld [smem:$0x3F9B];
	s0 =	simm.s32 @p1 $0x1  }
0x15: {  	[smem:$0x3FB8] =	sst s0;
	s0 =	simm.s32 @!p2 $0x0  }
0x16: {  	s3 =	sld [smem:$0x3FDB];
	s0 =	simm.s32 @p2 $0x1  }
0x17: {  	s4 =	simm.s32 $0x1BF5;
	[smem:$0x3FBA] =	sst s0  }
0x18: {  	s0 =	sld [smem:$0x3F9D];
	_ =	swait.ge [sflag:s4], $0x0  }
0x19: {  	s7 =	sld [smem:$0x3F9E]  }
0x1a: {  	s8 =	sadd.s32 $0xFFFFE003, lr  }
0x1b: {  	s9 =	sadd.s32 $0xFFFFFEF7, lr;
	s5 =	simm.s32 $0xFFFFFFFF;
	p2 =	slt.u32 s8, $0xFFFFF086  }
0x1c: {  	p1 =	slt.u32 s9, $0xF7A;
	s5 =	simm.s32 @!p2 $0x0  }
0x1d: {  	s5 =	simm.s32 @p1 $0x1;
	p0 =	seq.s32 s7, s2  }
0x1e: {  	s7 =	smul.u32 @!p0 $0xF7A, s2;
	p2 =	seq.s32 @!p0 s5, $0x0  }
0x1f: {  	s9 =	smul.u32 $0xF7A, s1;
	s8 =	simm.s32 @!p0 $0x1BF5;
	p2 =	por !p2, p0  }
0x20: {  	[sflag:s8] =	ssyncset.s32 @!p0 $0xFFFFF086;
	s6 =	sadd.s32 @!p0 s3, s7;
	s7 =	simm.s32 @!p0 $0x108  }
0x21: {  	s3 =	sadd.s32 s3, s9;
	s6 =	sadd.s32 @!p0 $0x88, s6;
	s7 =	simm.s32 @p2 $0x1082  }
0x22: {  	[simem:s7], [sflag:s8] =	dma.local @!p0 [hbm:s6], $0xF7A  }
0x23: {  	s9 =	sor.u32 $0xD0000000, s2;
	s6 =	simm.s32 $0x108;
	_ =	swait.ge @!p0 [sflag:s8], $0x0  }
0x24: {  	s3 =	sadd.s32 $0x88, s3;
	s6 =	simm.s32 @!p1 $0x1082;
	[sflag:s4] =	ssyncset.s32 $0xFFFFF086  }
0x25: {  	[simem:s6], [sflag:s4] =	dma.local [hbm:s3], $0xF7A  }
0x26: {  	[smem:$0x3F9E] =	sst s1;
	(tag) =	ssettag s2;
	_ =	strace s9  }
0x27: {  	s1 =	sld [smem:$0x3FAE]  }
0x28: {  	s2 =	sld [smem:$0x3FAF]  }
0x29: {  	s4 =	sld [smem:$0x3FB1]  }
0x2a: {  	p0 =	seq.s32 s5, $0x0;
	s5 =	sld [smem:$0x3FB2]  }
0x2b: {  	s6 =	sld [smem:$0x3FB3]  }
0x2c: {  	s7 =	sld [smem:$0x3FB4]  }
0x2d: {  	s3 =	simm.s32 $0x108;
	s8 =	sld [smem:$0x3FB5]  }
0x2e: {  	s3 =	simm.s32 @!p0 $0x1082;
	s9 =	sld [smem:$0x3FB6]  }
0x2f: {  	lr =	sadd.s32 s0, s3;
	s0 =	sld [smem:$0x3FAD]  }
0x30: {  	s3 =	sld [smem:$0x3FB0]  }
0x31: {  	[smem:$0x3FB9] =	sst s10  }
0x32: {  	s10 =	sld [smem:$0x3FB7];
	_ =	sdelay $0x3  }
0x33: {  	p0 =	seq.s32 s10, $0x1;
	s10 =	sld [smem:$0x3FB9];
	_ =	sdelay $0x3  }
0x34: {  	[smem:$0x3FB9] =	sst s10  }
0x35: {  	s10 =	sld [smem:$0x3FB8];
	_ =	sdelay $0x3  }
0x36: {  	p1 =	seq.s32 s10, $0x1;
	s10 =	sld [smem:$0x3FB9];
	_ =	sdelay $0x3  }
0x37: {  	[smem:$0x3FB9] =	sst s10  }
0x38: {  	s10 =	sld [smem:$0x3FBA]  }
0x39: {  	_ = 	snop;
	(pc) =	sbr.ind lr, $3  }
0x3a: {  	_ = 	snop  }
0x3b: {  	_ = 	snop  }
0x3c: {  	p2 =	seq.s32 s10, $0x1;
	s10 =	sld [smem:$0x3FB9]  }
0x3d: {  	_ =	shalt  }
0x3e: {  	_ =	shalt  }
0x3f: {  	_ =	shalt  }
0x40: {  	_ =	shalt  }
0x41: {  	_ =	shalt  }
0x42: {  	_ =	shalt  }
0x43: {  	_ =	shalt  }
0x44: {  	_ =	shalt  }
0x45: {  	_ =	shalt  }
0x46: {  	_ =	shalt  }
0x47: {  	_ =	shalt  }
0x48: {  	_ =	shalt  }
0x49: {  	_ =	shalt  }
0x4a: {  	_ =	shalt  }
0x4b: {  	_ =	shalt  }
0x4c: {  	_ =	shalt  }
0x4d: {  	_ =	shalt  }
0x4e: {  	_ =	shalt  }
0x4f: {  	_ =	shalt  }
0x50: {  	_ =	shalt  }
0x51: {  	_ =	shalt  }
0x52: {  	_ =	shalt  }
0x53: {  	_ =	shalt  }
0x54: {  	_ =	shalt  }
0x55: {  	_ =	shalt  }
0x56: {  	_ =	shalt  }
0x57: {  	_ =	shalt  }
0x58: {  	_ =	shalt  }
0x59: {  	_ =	shalt  }
0x5a: {  	_ =	shalt  }
0x5b: {  	_ =	shalt  }
0x5c: {  	_ =	shalt  }
0x5d: {  	_ =	shalt  }
0x5e: {  	_ =	shalt  }
0x5f: {  	_ =	shalt  }
0x60: {  	_ =	shalt  }
0x61: {  	_ =	shalt  }
0x62: {  	_ =	shalt  }
0x63: {  	_ =	shalt  }
0x64: {  	_ =	shalt  }
0x65: {  	_ =	shalt  }
0x66: {  	_ =	shalt  }
0x67: {  	_ =	shalt  }
0x68: {  	_ =	shalt  }
0x69: {  	_ =	shalt  }
0x6a: {  	_ =	shalt  }
0x6b: {  	_ =	shalt  }
0x6c: {  	_ =	shalt  }
0x6d: {  	_ =	shalt  }
0x6e: {  	_ =	shalt  }
0x6f: {  	_ =	shalt  }
0x70: {  	_ =	shalt  }
0x71: {  	_ =	shalt  }
0x72: {  	_ =	shalt  }
0x73: {  	_ =	shalt  }
0x74: {  	_ =	shalt  }
0x75: {  	_ =	shalt  }
0x76: {  	_ =	shalt  }
0x77: {  	_ =	shalt  }
0x78: {  	_ =	shalt  }
0x79: {  	_ =	shalt  }
0x7a: {  	_ =	shalt  }
0x7b: {  	_ =	shalt  }
0x7c: {  	_ =	shalt  }
0x7d: {  	_ =	shalt  }
0x7e: {  	_ =	shalt  }
0x7f: {  	_ =	shalt  }
0x80: {  	_ =	shalt  }
0x81: {  	_ =	shalt  }
0x82: {  	_ =	shalt  }
0x83: {  	_ =	shalt  }
0x84: {  	_ =	shalt  }
0x85: {  	_ =	shalt  }
0x86: {  	_ =	shalt  }
0x87: {  	_ =	shalt  }
.Lfunc_end0:
.L_simem_size_0:
called_computation_lowered:
.L_overlay_start_0:
0x88: {  	s2 =	sld [smem:$0x3FD9]  }
0x89: {  	s3 =	sld [smem:$0x3FFE];
	_ =	sdelay $0x1  }
0x8a: {  	s1 =	srdreg.scid  }
0x8b: {  	s0 =	sand.u32 $0x1, s1  }
0x8c: {  	s18 =	sshll.u32 s0, $0xA;
	s2 =	sadd.s32 s3, s2  }
0x8d: {  	s2 =	sadd.s32 s2, s18  }
0x8e: {  	[smem:$0x3FC5] =	sst s2  }
0x8f: {  	_ = 	snop  }
0x90: {  	s2 =	sld [smem:$0x3FC9]  }
0x91: {  	s19 =	sld [smem:$0x3FC8]  }
0x92: {  	s4 =	sld [smem:$0x3FC7]  }
0x93: {  	s5 =	sld [smem:$0x3FD0];
	(tm) =	ssettm $0x1  }
0x94: {  	s6 =	sld [smem:$0x3FFB];
	_ =	sdelay $0x3  }
0x95: {  	_ =	strace s6  }
0x96: {  	s6 =	sld [smem:$0x3FFC];
	_ =	sdelay $0x3  }
0x97: {  	_ =	strace s6  }
0x98: {  	s6 =	sld [smem:$0x3FFD];
	_ =	sdelay $0x3  }
0x99: {  	_ =	strace s6  }
0x9a: {  	_ =	strace $0x8FFFFFFF  }
0x9b: {  	s20 =	sld [smem:$0x3FDB];
	_ =	sdelay $0x1  }
0x9c: {  	s7 =	simm.s32 $_scs_section_size  }
0x9d: {  	s8 =	simm.s32 $_size__tile_overlayer_lowered;
	s9 =	simm.s32 $_tile_overlayer_lowered  }
0x9e: {  	s23 =	simm.s32 $0x1BFF;
	s22 =	sshll.u32 s9, $0x1;
	s6 =	sadd.s32 s7, s20  }
0x9f: {  	s10 =	simm.s32 $0x0;
	s21 =	sshll.u32 s8, $0x1;
	s8 =	sadd.s32 s22, s6  }
0xa0: {  	[timem:s10], [sflag:s23] =	dma.local [hbm:s8], s21  }
0xa1: {  	_ =	swait.ge [sflag:s23], s21  }
0xa2: {  	s7 =	ssub.s32 $0x0, s21;
	[sflag:s23] =	ssyncset.done $0x0  }
0xa3: {  	[sflag:s23] =	ssyncadd.s32 s7;
	_ =	sdelay $0x1  }
0xa4: {  	s24 =	simm.s32 $0x1B8B  }
0xa5: {  	_ =	swait.ge [sflag:s24], $0x1  }
0xa6: {  	[sflag:s24] =	ssyncset.done $0x0  }
0xa7: {  	s25 =	simm.s32 $0x1B8E;
	[sflag:s24] =	ssyncadd.s32 $0xFFFFFFFF  }
0xa8: {  	s26 =	simm.s32 $execute0_lowered;
	[smem:$0x3FD2] =	sst s25  }
0xa9: {  	s7 =	sshll.u32 s26, $0x1;
	_ =	strace $0x80000046;
	[dreg:$0x1] =	wrdreg $0xFFFFFFFF  }
0xaa: {  	s28 =	simm.s32 $_size_execute0_lowered;
	s6 =	sadd.s32 s6, s7;
	[dreg:$0x0] =	wrdreg $0x0  }
0xab: {  	s7 =	sshll.u32 s28, $0x1;
	[dreg:$0x2] =	wrdreg s6  }
0xac: {  	[dreg:$0x3] =	wrdreg s7  }
0xad: {  	[dreg:$0x4] =	wrdreg $0xC0  }
0xae: {  	_ =	task [dreg:s10], $0x5FFFF  }
0xaf: {  	[dreg:$0x1] =	wrdreg $0xFFFFFFFF  }
0xb0: {  	[dreg:$0x0] =	wrdreg $0x60  }
0xb1: {  	[dreg:$0x2] =	wrdreg s2  }
0xb2: {  	[dreg:$0x3] =	wrdreg s19  }
0xb3: {  	[dreg:$0x4] =	wrdreg s4  }
0xb4: {  	[dreg:$0x5] =	wrdreg s5  }
0xb5: {  	[dreg:$0x6] =	wrdreg $0x1000  }
0xb6: {  	[dreg:$0x7] =	wrdreg $0x3800  }
0xb7: {  	[dreg:$0x8] =	wrdreg $0x9  }
0xb8: {  	_ =	task.clear_ibuf [dreg:s10], $0x9FFFF;
	_ =	strace $0x90000046  }
0xb9: {  	s29 =	simm.s32 $0x9;
	_ =	strace $0x80000048  }
0xba: {  	_ =	swait.ge [sflag:s29], $0x1  }
0xbb: {  	[sflag:s29] =	ssyncadd.s32 $0xFFFFFFFF  }
0xbc: {  	_ =	strace $0x90000048  }
0xbd: {  	_ =	sfence  }
0xbe: {  	s30 =	sld [smem:$0x0];
	_ =	sdelay $0x2  }
0xbf: {  	s31 =	sshll.u32 s1, $0xD;
	s1 =	sshrl.u32 s1, $0x2  }
0xc0: {  	s3 =	sand.u32 $0x4000, s31;
	s1 =	sadd.s32 s1, s30  }
0xc1: {  	s0 =	sor.u32 s3, s0;
	s1 =	sshll.u32 s1, $0x11  }
0xc2: {  	s0 =	sor.u32 s1, s0  }
0xc3: {  	s0 =	sadd.s32 $0x8F2B, s0  }
0xc4: {  	[sflag:s0] =	ssyncadd.remote.s32 $0x1  }
0xc5: {  	_ =	sfence.sel $0xFFFF  }
0xc6: {  	[dreg:$0x0] =	wrdreg $0xFFFFFFFF;
	(pc) =	sbr.abs _section_cstart, $3  }
0xc7: {  	[dreg:$0x1] =	wrdreg $0xFFFFFFFF  }
0xc8: {  	_ =	task.clear_ibuf [dreg:s10], $0x2FFFF;
	_ =	strace $0x9FFFFFFF  }
0xc9: {  	(tm) =	ssettm $0x7FFFFFFF  }
tec
execute0_lowered:
.L_overlay_start_1:
0x0: {  	(tag) =	ssettag $0x1  }
0x1: {  	s11 =	rddreg [dreg:$0x0]  }
0x2: {  	s9 =	rddreg [dreg:$0x1]  }
0x3: {  	s1 =	rddreg [dreg:$0x2]  }
0x4: {  	s7 =	rddreg [dreg:$0x3]  }
0x5: {  	s3 =	rddreg [dreg:$0x4]  }
0x6: {  	s4 =	rddreg [dreg:$0x5]  }
0x7: {  	s5 =	srdreg.scid;
	s2 =	stileid.u32  }
0x8: {  	s0 =	rddreg [dreg:$0x6];
	s8 =	smul.u32 $0x280, s2  }
0x9: {  	s6 =	sand.u32 $0x1, s5;
	s5 =	simm.s32 $0x0;
	s30 =	smul.u32 $0x500, s2  }
0xa: {  	s14 =	sshll.u32 s2, $0x6;
	s10 =	ssub.s32 $0x2, s6;
	s12 =	smul.u32 $0x5000, s6  }
0xb: {  	[smem:$0x7FF] =	sst s5;
	s6 =	sor.u32 $0x1C01, s14;
	s28 =	sshrl.u32 s10, $0x1  }
0xc: {  	_ =	strace $0x80000047;
	s13 =	sadd.s32 s8, s3;
	s31 =	sadd.s32 s8, s4  }
0xd: {  	s10 =	ssub.s32 s10, s28;
	s29 =	sadd.s32 s8, s12;
	s16 =	sadd.s32 s12, s9  }
0xe: {  	s11 =	sadd.s32 s12, s11;
	s12 =	sshrl.u32 s13, $0x3;
	s13 =	simm.s32 $0x1  }
0xf: {  	s14 =	sshrl.u32 s31, $0x3;
	s15 =	sshrl.u32 s29, $0x3;
	s9 =	smax.u32 s10, $0x1  }
0x10: {  	s10 =	sadd.s32 s30, s16;
	s11 =	sadd.s32 s30, s11;
	s7 =	sadd.s32 s7, s15  }
0x11: {  	v0 =	vimm.f32 $1.000000000e+00;
	s16 =	simm.s32 $0x0;
	s15 =	simm.s32 $0x80;
	s8 =	sadd.s32 $0x500, s7  }
.LBB2_1:
0x12: {  	[tilespmem:$0x80] =	vst v0  }
0x13: {  	[tilespmem:$0x90] =	vst v0  }
0x14: {  	[tilespmem:$0xA0] =	vst v0  }
0x15: {  	[tilespmem:$0xB0] =	vst v0  }
0x16: {  	[tilespmem:$0xC0] =	vst v0  }
0x17: {  	[tilespmem:$0xD0] =	vst v0  }
0x18: {  	[tilespmem:$0xE0] =	vst v0  }
0x19: {  	[tilespmem:$0xF0] =	vst v0  }
0x1a: {  	[spmem:s12], [sflag:s6] =	dma.local [hbm:s1], $0x50  }
0x1b: {  	_ =	swait.ge [sflag:s13], $0x50  }
0x1c: {  	[sflag:s13] =	ssyncset.done $0x0  }
0x1d: {  	[sflag:s13] =	ssyncadd.s32 $0xFFFFFFB0  }
0x1e: {  	[spmem:s14], [sflag:s6] =	dma.local [hbm:s1], $0x50  }
0x1f: {  	_ =	swait.ge [sflag:s13], $0x50  }
0x20: {  	[sflag:s13] =	ssyncset.done $0x0  }
0x21: {  	[sflag:s13] =	ssyncadd.s32 $0xFFFFFFB0  }
0x22: {  	s17 =	sadd.s32 $0x0, s11;
	[bflag:$0x0] =	sbarrier.arrive $0xFFFF  }
0x23: {  	[tilespmem:s5], [sflag:$0x1] =	stream.linear.gather [hbm4b:s17+s5], $0x80, $0x38;
	[tilespmem:$0x600] =	vst v63  }
0x24: {  	_ =	swait.ge [sflag:s13], $0x80  }
0x25: {  	[sflag:s13] =	ssyncset.done $0x0  }
0x26: {  	[sflag:s13] =	ssyncadd.s32 $0xFFFFFF80  }
0x27: {  	[spmem:s3] =	stream.indirect.scatter.add.f32 [tilespmem:s15], [sflag:$0x1], $0x1, s5, s15, $0xb8;
	[tilespmem:$0x600] =	vst v63  }
0x28: {  	_ =	swait.ge [sflag:s13], $0x80  }
0x29: {  	[sflag:s13] =	ssyncset.done $0x0  }
0x2a: {  	s31 =	sadd.s32 $0x0, s10;
	[sflag:s13] =	ssyncadd.s32 $0xFFFFFF80  }
0x2b: {  	[tilespmem:s5], [sflag:$0x1] =	stream.linear.gather [hbm4b:s31+s5], $0x80, $0x38;
	[tilespmem:$0x600] =	vst v63  }
0x2c: {  	_ =	swait.ge [sflag:s13], $0x80  }
0x2d: {  	[sflag:s13] =	ssyncset.done $0x0  }
0x2e: {  	[sflag:s13] =	ssyncadd.s32 $0xFFFFFF80  }
0x2f: {  	[spmem:s4] =	stream.indirect.scatter.add.f32 [tilespmem:s15], [sflag:$0x1], $0x1, s5, s15, $0xb8;
	[tilespmem:$0x600] =	vst v63  }
0x30: {  	_ =	swait.ge [sflag:s13], $0x80  }
0x31: {  	s18 =	simm.s32 $0x20;
	s17 =	simm.s32 $0x10;
	[sflag:s13] =	ssyncset.done $0x0  }
.LBB2_2:
0x32: {  	s19 =	sadd.s32 s17, s11  }
0x33: {  	[sflag:s13] =	ssyncadd.s32 $0xFFFFFF80;
	s20 =	smov.u32 s18;
	s21 =	sadd.s32 $0x10, s18  }
0x34: {  	[tilespmem:s5], [sflag:$0x1] =	stream.linear.gather [hbm4b:s19+s5], $0x80, $0x38;
	[tilespmem:$0x600] =	vst v63  }
0x35: {  	p0 =	sne.s32 s18, $0x4F0;
	_ =	swait.ge [sflag:s13], $0x80  }
0x36: {  	[sflag:s13] =	ssyncset.done $0x0  }
0x37: {  	[sflag:s13] =	ssyncadd.s32 $0xFFFFFF80  }
0x38: {  	[spmem:s3] =	stream.indirect.scatter.add.f32 [tilespmem:s15], [sflag:$0x1], $0x1, s5, s15, $0xb8;
	[tilespmem:$0x600] =	vst v63  }
0x39: {  	_ =	swait.ge [sflag:s13], $0x80  }
0x3a: {  	[sflag:s13] =	ssyncset.done $0x0  }
0x3b: {  	s18 =	sadd.s32 s17, s10;
	s17 =	smov.u32 s20;
	[sflag:s13] =	ssyncadd.s32 $0xFFFFFF80  }
0x3c: {  	[tilespmem:s5], [sflag:$0x1] =	stream.linear.gather [hbm4b:s18+s5], $0x80, $0x38;
	[tilespmem:$0x600] =	vst v63  }
0x3d: {  	_ =	swait.ge [sflag:s13], $0x80  }
.Ltmp0:
0x3e: {  	[sflag:s13] =	ssyncset.done $0x0;
	(pc) =	sbr.rel @p0 .LBB2_2-.Ltmp0, $4  }
0x3f: {  	[sflag:s13] =	ssyncadd.s32 $0xFFFFFF80  }
0x40: {  	[spmem:s4] =	stream.indirect.scatter.add.f32 [tilespmem:s15], [sflag:$0x1], $0x1, s5, s15, $0xb8;
	[tilespmem:$0x600] =	vst v63  }
0x41: {  	_ =	swait.ge [sflag:s13], $0x80  }
0x42: {  	s18 =	smov.u32 s21;
	[sflag:s13] =	ssyncset.done $0x0  }
0x43: {  	s18 =	sadd.s32 s17, s11;
	[sflag:s13] =	ssyncadd.s32 $0xFFFFFF80  }
0x44: {  	[tilespmem:s5], [sflag:$0x1] =	stream.linear.gather [hbm4b:s18+s5], $0x80, $0x38;
	[tilespmem:$0x600] =	vst v63  }
0x45: {  	_ =	swait.ge [sflag:s13], $0x80  }
0x46: {  	[sflag:s13] =	ssyncset.done $0x0  }
0x47: {  	[sflag:s13] =	ssyncadd.s32 $0xFFFFFF80  }
0x48: {  	[spmem:s3] =	stream.indirect.scatter.add.f32 [tilespmem:s15], [sflag:$0x1], $0x1, s5, s15, $0xb8;
	[tilespmem:$0x600] =	vst v63  }
0x49: {  	_ =	swait.ge [sflag:s13], $0x80  }
0x4a: {  	[sflag:s13] =	ssyncset.done $0x0  }
0x4b: {  	s31 =	sadd.s32 s17, s10;
	[sflag:s13] =	ssyncadd.s32 $0xFFFFFF80  }
0x4c: {  	[tilespmem:s5], [sflag:$0x1] =	stream.linear.gather [hbm4b:s31+s5], $0x80, $0x38;
	[tilespmem:$0x600] =	vst v63  }
0x4d: {  	_ =	swait.ge [sflag:s13], $0x80  }
0x4e: {  	[sflag:s13] =	ssyncset.done $0x0  }
0x4f: {  	[sflag:s13] =	ssyncadd.s32 $0xFFFFFF80  }
0x50: {  	[spmem:s4] =	stream.indirect.scatter.add.f32 [tilespmem:s15], [sflag:$0x1], $0x1, s5, s15, $0xb8;
	[tilespmem:$0x600] =	vst v63  }
0x51: {  	_ =	swait.ge [sflag:s13], $0x80  }
0x52: {  	[sflag:s13] =	ssyncset.done $0x0  }
0x53: {  	[sflag:s13] =	ssyncadd.s32 $0xFFFFFF80  }
0x54: {  	[bflag:$0x0] =	sbarrier.arrive $0xFFFF  }
0x55: {  	[hbm:s7], [sflag:s6] =	dma.local [spmem:s12], $0x50  }
0x56: {  	s16 =	sadd.s32 $0x1, s16;
	_ =	swait.ge [sflag:s13], $0x50  }
0x57: {  	p0 =	sne.s32 s16, s9;
	[sflag:s13] =	ssyncset.done $0x0  }
.Ltmp1:
0x58: {  	[sflag:s13] =	ssyncadd.s32 $0xFFFFFFB0;
	(pc) =	sbr.rel @p0 .LBB2_1-.Ltmp1, $4  }
0x59: {  	[hbm:s8], [sflag:s6] =	dma.local [spmem:s14], $0x50  }
0x5a: {  	_ =	swait.ge [sflag:s13], $0x50  }
0x5b: {  	[sflag:s13] =	ssyncset.done $0x0  }
0x5c: {  	[sflag:s13] =	ssyncadd.s32 $0xFFFFFFB0  }
0x5d: {  	_ =	sfence.sel $0x180000  }
0x5e: {  	[bflag:$0x0] =	sbarrier.arrive $0xFFFF  }
0x5f: {  	p0 =	sne.s32 s2, $0x0;
	_ =	strace $0x90000047  }
0x60: {  	s0 =	sadd.s32 @!p0 $0x100000, s0;
	[bflag:$0x2] =	sbarrier.arrive $0xFFFF  }
0x61: {  	[sflag:s0] =	ssyncadd.tile.s32 @!p0 $0x1;
	_ =	shalt  }
.Lfunc_end2:
_tile_overlayer_lowered:
.L_overlay_start_2:
0x62: {  	(tag) =	ssettag $0x2  }
0x63: {  	s0 =	rddreg [dreg:$0x0];
	s2 =	stileid.u32  }
0x64: {  	s1 =	rddreg [dreg:$0x1];
	p0 =	sne.s32 s2, $0x0  }
0x65: {  	s3 =	rddreg [dreg:$0x2];
	[bflag:$0x3] =	sbarrier.arrive $0xFFFF;
	s2 =	simm.s32 @!p0 $0x1C01  }
0x66: {  	[timem:s3], [sflag:s2] =	dma.local @!p0 [hbm:s0], s1  }
0x67: {  	s0 =	simm.s32 @!p0 $0x1  }
0x68: {  	_ =	swait.ge @!p0 [sflag:s0], s1  }
0x69: {  	s1 =	ssub.s32 @!p0 $0x0, s1;
	[sflag:s0] =	ssyncset.done @!p0 $0x0  }
0x6a: {  	[sflag:s0] =	ssyncadd.s32 @!p0 s1  }
0x6b: {  	[bflag:$0x3] =	sbarrier.arrive $0xFFFF  }
0x6c: {  	_ =	shalt  }

</sc_bundles>
